<compile_context>
chip_gen: v7x
topology: tpu7x:2x2x1
jax: 0.10.2.dev20260603
libtpu: 0.0.44.dev20260713+nightly
codegen_flags: <defaults>
</compile_context>

<pallas_src>
import functools

import jax
import jax.numpy as jnp
from jax import lax
from jax.experimental import pallas as pl
from jax.experimental.pallas import tpu as pltpu
from jax.experimental.pallas import tpu_sc as plsc

_LANES = 16
_NBUF = 2


@functools.lru_cache(maxsize=None)
def _make_sc_pool(n_seg: int, seg_rows: int, units: int, col0: int,
                  chunk_rows: int):
    n_cores = 2 if units - col0 >= 256 else 1
    sc_cols = units - col0
    w_cols = sc_cols
    seg_per_core = n_seg // n_cores
    n_grp = w_cols // _LANES
    n_chunks = seg_rows // chunk_rows
    assert n_chunks % _NBUF == 0 and chunk_rows % 8 == 0
    mesh = plsc.VectorSubcoreMesh(core_axis_name="c", subcore_axis_name="s",
                                  num_cores=n_cores)

    @functools.partial(
        pl.kernel,
        mesh=mesh,
        out_type=jax.ShapeDtypeStruct((n_seg, sc_cols), jnp.float32),
        scratch_types=(
            [pltpu.VMEM((chunk_rows, w_cols), jnp.float32)] * _NBUF
            + [
                pltpu.VMEM((_LANES,), jnp.float32),
                pltpu.VMEM((w_cols,), jnp.float32),
            ]
            + [pltpu.SemaphoreType.DMA] * _NBUF
        ),
    )
    def sc_pool(x_hbm, sz_hbm, out_hbm, *refs):
        bufs = refs[:_NBUF]
        szv, outv = refs[_NBUF:_NBUF + 2]
        sems = refs[_NBUF + 2:]
        core = lax.axis_index("c")
        sub = lax.axis_index("s")
        seg = core * seg_per_core + sub

        @pl.when(sub < seg_per_core)
        def _():
            row0 = seg * seg_rows

            def src_slice(ci):
                off = pl.multiple_of(row0 + ci * chunk_rows, 8)
                return x_hbm.at[pl.ds(off, chunk_rows), pl.ds(col0, w_cols)]

            for b in range(_NBUF):
                pltpu.async_copy(src_slice(b), bufs[b], sems[b])
            acc0 = tuple(
                jnp.zeros((_LANES,), jnp.float32) for _ in range(n_grp))

            def outer(g, acc):
                for b in range(_NBUF):
                    ci = g * _NBUF + b
                    pltpu.make_async_copy(
                        src_slice(ci), bufs[b], sems[b]).wait()

                    def body(r, carry, b=b):
                        return tuple(
                            carry[gr] + bufs[b][r, pl.ds(gr * _LANES, _LANES)]
                            for gr in range(n_grp)
                        )

                    acc = lax.fori_loop(0, chunk_rows, body, acc)

                    @pl.when(ci + _NBUF < n_chunks)
                    def _(b=b, ci=ci):
                        pltpu.async_copy(
                            src_slice(ci + _NBUF), bufs[b], sems[b])
                return acc

            acc = lax.fori_loop(0, n_chunks // _NBUF, outer, acc0)

            pltpu.sync_copy(sz_hbm.at[seg], szv)
            s = szv[...]
            for g in range(n_grp):
                outv[pl.ds(g * _LANES, _LANES)] = acc[g] / s
            pltpu.sync_copy(outv, out_hbm.at[seg])

    return sc_pool


@functools.lru_cache(maxsize=None)
def _make_tc_pool(n_seg: int, seg_rows: int, units: int, tc_cols: int,
                  blk_rows: int):
    n_blk = seg_rows // blk_rows

    def body(x_ref, r_ref, o_ref):
        @pl.when(pl.program_id(0) == 0)
        def _():
            o_ref[...] = jnp.zeros_like(o_ref)
        o_ref[...] += jnp.sum(x_ref[...], axis=1)

        @pl.when(pl.program_id(0) == n_blk - 1)
        def _():
            o_ref[...] = o_ref[...] / r_ref[...]

    return pl.pallas_call(
        body,
        grid=(n_blk,),
        in_specs=[
            pl.BlockSpec((n_seg, blk_rows, tc_cols), lambda k: (0, k, 0)),
            pl.BlockSpec((n_seg, 1), lambda k: (0, 0)),
        ],
        out_specs=pl.BlockSpec((n_seg, tc_cols), lambda k: (0, 0)),
        out_shape=jax.ShapeDtypeStruct((n_seg, tc_cols), jnp.float32),
    )


def kernel(x, nclasses, nfeature):
    n_seg = nclasses.shape[0]
    units = x.shape[1]
    seg_rows = x.shape[0] // n_seg
    tc_cols = 384
    chunk_rows = 400
    blk_rows = 400

    sizes = (nclasses * nfeature).astype(jnp.float32)
    sz_b = jnp.broadcast_to(sizes[:, None], (n_seg, _LANES))
    x3 = jnp.reshape(x, (n_seg, seg_rows, units))

    sc_out = _make_sc_pool(n_seg, seg_rows, units, tc_cols, chunk_rows)(x, sz_b)
    tc_out = _make_tc_pool(n_seg, seg_rows, units, tc_cols, blk_rows)(
        x3, sizes[:, None])
    return jnp.concatenate([tc_out, sc_out], axis=1)

# --- scband reference (transcript-rebuilt; emitter-appended) ---
"""Pipeline reference for scband-pool-g-3444563772194 (READ-ONLY COPY).

The authoritative reference and input builder live on the scoring server;
editing this copy changes nothing except your own understanding.
"""

import jax, jax.numpy as jnp
import numpy as np


def setup_inputs(seed: int = 0) -> dict:
    key = jax.random.key(seed)
    B = 16
    units = 512
    # per input_specs: ones scaled by fill_max (constant segment-size descriptors)
    nclasses = np.ones((B,), dtype=np.int64) * 20
    nfeature = np.ones((B,), dtype=np.int64) * 200
    total = int(np.sum(nclasses * nfeature))  # 16 * 20 * 200 = 64000
    x = jax.random.normal(jax.random.fold_in(key, 0), (total, units), dtype=jnp.float32)
    return {"x": x, "nclasses": nclasses, "nfeature": nfeature}


def reference(x, nclasses, nfeature):
    # Faithful translation of PoolG.call:
    #   s = nclasses * nfeature (split sizes along axis 0)
    #   split x, reshape each piece to (1, s_i, units), mean over axis 1, concat
    # Segments are uniform (constant descriptors), so the split/mean/concat is a
    # static reshape plus a sum divided by the traced per-segment sizes.
    B = nclasses.shape[0]
    units = x.shape[1]
    seg = x.shape[0] // B
    sizes = (nclasses * nfeature).astype(x.dtype)
    te = jnp.reshape(x, (B, seg, units))
    te = jnp.sum(te, axis=1) / sizes[:, None]
    return te

if __name__ == "__main__":
    import jax
    _d = setup_inputs()
    print(jax.jit(kernel)(*tuple(_d.values())))

</pallas_src>

<mosaic_0001>
#map = affine_map<(d0, d1) -> (0, 0)>
module attributes {stable_mosaic.version = 14 : i64} {
  func.func @sc_pool(%arg0: i32, %arg1: i32, %arg2: memref<64000x512xf32, #tpu.memory_space<hbm>>, %arg3: memref<16x16xf32, #tpu.memory_space<hbm>>, %arg4: memref<16x128xf32, #tpu.memory_space<hbm>>, %arg5: memref<400x128xf32, #tpu.memory_space<vmem>>, %arg6: memref<400x128xf32, #tpu.memory_space<vmem>>, %arg7: memref<16xf32, #tpu.memory_space<vmem>>, %arg8: memref<128xf32, #tpu.memory_space<vmem>>, %arg9: memref<!tpu.dma_semaphore, #tpu.memory_space<semaphore_mem>>, %arg10: memref<!tpu.dma_semaphore, #tpu.memory_space<semaphore_mem>>) attributes {dimension_semantics = [#tpu.dimension_semantics<core_parallel>, #tpu.dimension_semantics<subcore_parallel>], iteration_bounds = array<i64: 1, 16>, scalar_prefetch = 0 : i64, scratch_operands = 6 : i64, tpu.core_type = #tpu.core_type<sc_vector_subcore>, window_params = [{transform_indices = #map}, {transform_indices = #map}, {transform_indices = #map}]} {
    %mul3A = arith.constant 16 : i32
    %mul3A_0 = arith.muli %arg0, %mul3A : i32
    %add3A = arith.addi %mul3A_0, %arg1 : i32
    %lt3A = arith.constant 16 : i32
    %lt3A_1 = arith.cmpi slt, %arg1, %lt3A : i32
    %convert_element_type3A = arith.extui %lt3A_1 : i1 to i32
    %cond3A = arith.constant 0 : i32
    %cond3A_2 = arith.cmpi ne, %convert_element_type3A, %cond3A : i32
    scf.if %cond3A_2 {
      %mul3A_3 = arith.constant 4000 : i32
      %mul3A_4 = arith.muli %add3A, %mul3A_3 : i32
      %add3A_5 = arith.constant 0 : i32
      %add3A_6 = arith.addi %mul3A_4, %add3A_5 : i32
      %multiple_of3A = tpu.assume_multiple %add3A_6, 8 : i32
      %dma_start3A = arith.constant 384 : i32
      %dma_start3A_7 = tpu.memref_slice %arg2[%multiple_of3A, %dma_start3A] : memref<64000x512xf32, #tpu.memory_space<hbm>> -> memref<400x128xf32, #tpu.memory_space<hbm>>
      %dma_start3A_8 = arith.constant 384 : i32
      %dma_start3A_9 = tpu.memref_slice %arg2[%multiple_of3A, %dma_start3A_8] : memref<64000x512xf32, #tpu.memory_space<hbm>> -> memref<400x128xf32, #tpu.memory_space<hbm>>
      tpu.enqueue_dma source(%dma_start3A_9 : memref<400x128xf32, #tpu.memory_space<hbm>>) target(%arg5 : memref<400x128xf32, #tpu.memory_space<vmem>>) target_semaphore(%arg9 : memref<!tpu.dma_semaphore, #tpu.memory_space<semaphore_mem>>)
      %add3A_10 = arith.constant 400 : i32
      %add3A_11 = arith.addi %mul3A_4, %add3A_10 : i32
      %multiple_of3A_12 = tpu.assume_multiple %add3A_11, 8 : i32
      %dma_start3A_13 = arith.constant 384 : i32
      %dma_start3A_14 = tpu.memref_slice %arg2[%multiple_of3A_12, %dma_start3A_13] : memref<64000x512xf32, #tpu.memory_space<hbm>> -> memref<400x128xf32, #tpu.memory_space<hbm>>
      %dma_start3A_15 = arith.constant 384 : i32
      %dma_start3A_16 = tpu.memref_slice %arg2[%multiple_of3A_12, %dma_start3A_15] : memref<64000x512xf32, #tpu.memory_space<hbm>> -> memref<400x128xf32, #tpu.memory_space<hbm>>
      tpu.enqueue_dma source(%dma_start3A_16 : memref<400x128xf32, #tpu.memory_space<hbm>>) target(%arg6 : memref<400x128xf32, #tpu.memory_space<vmem>>) target_semaphore(%arg10 : memref<!tpu.dma_semaphore, #tpu.memory_space<semaphore_mem>>)
      %broadcast_in_dim3A = arith.constant 0.000000e+00 : f32
      %broadcast_in_dim3A_17 = vector.broadcast %broadcast_in_dim3A : f32 to vector<16xf32>
      %broadcast_in_dim3A_18 = arith.constant 0.000000e+00 : f32
      %broadcast_in_dim3A_19 = vector.broadcast %broadcast_in_dim3A_18 : f32 to vector<16xf32>
      %broadcast_in_dim3A_20 = arith.constant 0.000000e+00 : f32
      %broadcast_in_dim3A_21 = vector.broadcast %broadcast_in_dim3A_20 : f32 to vector<16xf32>
      %broadcast_in_dim3A_22 = arith.constant 0.000000e+00 : f32
      %broadcast_in_dim3A_23 = vector.broadcast %broadcast_in_dim3A_22 : f32 to vector<16xf32>
      %broadcast_in_dim3A_24 = arith.constant 0.000000e+00 : f32
      %broadcast_in_dim3A_25 = vector.broadcast %broadcast_in_dim3A_24 : f32 to vector<16xf32>
      %broadcast_in_dim3A_26 = arith.constant 0.000000e+00 : f32
      %broadcast_in_dim3A_27 = vector.broadcast %broadcast_in_dim3A_26 : f32 to vector<16xf32>
      %broadcast_in_dim3A_28 = arith.constant 0.000000e+00 : f32
      %broadcast_in_dim3A_29 = vector.broadcast %broadcast_in_dim3A_28 : f32 to vector<16xf32>
      %broadcast_in_dim3A_30 = arith.constant 0.000000e+00 : f32
      %broadcast_in_dim3A_31 = vector.broadcast %broadcast_in_dim3A_30 : f32 to vector<16xf32>
      %scan3A = arith.constant 0 : i32
      %scan3A_32 = arith.constant 5 : i32
      %scan3A_33 = arith.addi %scan3A, %scan3A_32 : i32
      %scan3A_34 = arith.constant 1 : i32
      %scan3A_35:8 = scf.for %scan3A_77 = %scan3A to %scan3A_33 step %scan3A_34 iter_args(%scan3A_78 = %broadcast_in_dim3A_17, %scan3A_79 = %broadcast_in_dim3A_19, %scan3A_80 = %broadcast_in_dim3A_21, %scan3A_81 = %broadcast_in_dim3A_23, %scan3A_82 = %broadcast_in_dim3A_25, %scan3A_83 = %broadcast_in_dim3A_27, %scan3A_84 = %broadcast_in_dim3A_29, %scan3A_85 = %broadcast_in_dim3A_31) -> (vector<16xf32>, vector<16xf32>, vector<16xf32>, vector<16xf32>, vector<16xf32>, vector<16xf32>, vector<16xf32>, vector<16xf32>)  : i32 {
        %mul3A_86 = arith.constant 2 : i32
        %mul3A_87 = arith.muli %scan3A_77, %mul3A_86 : i32
        %add3A_88 = arith.constant 0 : i32
        %add3A_89 = arith.addi %mul3A_87, %add3A_88 : i32
        %mul3A_90 = arith.constant 400 : i32
        %mul3A_91 = arith.muli %add3A_89, %mul3A_90 : i32
        %add3A_92 = arith.addi %mul3A_4, %mul3A_91 : i32
        %multiple_of3A_93 = tpu.assume_multiple %add3A_92, 8 : i32
        %dma_wait3A = arith.constant 384 : i32
        %dma_wait3A_94 = tpu.memref_slice %arg2[%multiple_of3A_93, %dma_wait3A] : memref<64000x512xf32, #tpu.memory_space<hbm>> -> memref<400x128xf32, #tpu.memory_space<hbm>>
        %dma_wait3A_95 = arith.constant 384 : i32
        %dma_wait3A_96 = tpu.memref_slice %arg2[%multiple_of3A_93, %dma_wait3A_95] : memref<64000x512xf32, #tpu.memory_space<hbm>> -> memref<400x128xf32, #tpu.memory_space<hbm>>
        tpu.wait_dma2 semaphore(%arg9 : memref<!tpu.dma_semaphore, #tpu.memory_space<semaphore_mem>>) src(%dma_wait3A_96 : memref<400x128xf32, #tpu.memory_space<hbm>>) dst(%arg5 : memref<400x128xf32, #tpu.memory_space<vmem>>)
        %scan3A_97 = arith.constant 0 : i32
        %scan3A_98 = arith.constant 400 : i32
        %scan3A_99 = arith.addi %scan3A_97, %scan3A_98 : i32
        %scan3A_100 = arith.constant 1 : i32
        %scan3A_101:8 = scf.for %scan3A_135 = %scan3A_97 to %scan3A_99 step %scan3A_100 iter_args(%scan3A_136 = %scan3A_78, %scan3A_137 = %scan3A_79, %scan3A_138 = %scan3A_80, %scan3A_139 = %scan3A_81, %scan3A_140 = %scan3A_82, %scan3A_141 = %scan3A_83, %scan3A_142 = %scan3A_84, %scan3A_143 = %scan3A_85) -> (vector<16xf32>, vector<16xf32>, vector<16xf32>, vector<16xf32>, vector<16xf32>, vector<16xf32>, vector<16xf32>, vector<16xf32>)  : i32 {
          %get3A_144 = arith.index_cast %scan3A_135 : i32 to index
          %get3A_145 = arith.constant 0 : index
          %get3A_146 = tpu.vector_load %arg5[%get3A_144, %get3A_145] {strides = array<i32>} : memref<400x128xf32, #tpu.memory_space<vmem>>, vector<1x16xf32>,
          %get3A_147 = vector.shape_cast %get3A_146 : vector<1x16xf32> to vector<16xf32>
          %add3A_148 = arith.addf %scan3A_136, %get3A_147 : vector<16xf32>
          %get3A_149 = arith.index_cast %scan3A_135 : i32 to index
          %get3A_150 = arith.constant 16 : index
          %get3A_151 = tpu.vector_load %arg5[%get3A_149, %get3A_150] {strides = array<i32>} : memref<400x128xf32, #tpu.memory_space<vmem>>, vector<1x16xf32>,
          %get3A_152 = vector.shape_cast %get3A_151 : vector<1x16xf32> to vector<16xf32>
          %add3A_153 = arith.addf %scan3A_137, %get3A_152 : vector<16xf32>
          %get3A_154 = arith.index_cast %scan3A_135 : i32 to index
          %get3A_155 = arith.constant 32 : index
          %get3A_156 = tpu.vector_load %arg5[%get3A_154, %get3A_155] {strides = array<i32>} : memref<400x128xf32, #tpu.memory_space<vmem>>, vector<1x16xf32>,
          %get3A_157 = vector.shape_cast %get3A_156 : vector<1x16xf32> to vector<16xf32>
          %add3A_158 = arith.addf %scan3A_138, %get3A_157 : vector<16xf32>
          %get3A_159 = arith.index_cast %scan3A_135 : i32 to index
          %get3A_160 = arith.constant 48 : index
          %get3A_161 = tpu.vector_load %arg5[%get3A_159, %get3A_160] {strides = array<i32>} : memref<400x128xf32, #tpu.memory_space<vmem>>, vector<1x16xf32>,
          %get3A_162 = vector.shape_cast %get3A_161 : vector<1x16xf32> to vector<16xf32>
          %add3A_163 = arith.addf %scan3A_139, %get3A_162 : vector<16xf32>
          %get3A_164 = arith.index_cast %scan3A_135 : i32 to index
          %get3A_165 = arith.constant 64 : index
          %get3A_166 = tpu.vector_load %arg5[%get3A_164, %get3A_165] {strides = array<i32>} : memref<400x128xf32, #tpu.memory_space<vmem>>, vector<1x16xf32>,
          %get3A_167 = vector.shape_cast %get3A_166 : vector<1x16xf32> to vector<16xf32>
          %add3A_168 = arith.addf %scan3A_140, %get3A_167 : vector<16xf32>
          %get3A_169 = arith.index_cast %scan3A_135 : i32 to index
          %get3A_170 = arith.constant 80 : index
          %get3A_171 = tpu.vector_load %arg5[%get3A_169, %get3A_170] {strides = array<i32>} : memref<400x128xf32, #tpu.memory_space<vmem>>, vector<1x16xf32>,
          %get3A_172 = vector.shape_cast %get3A_171 : vector<1x16xf32> to vector<16xf32>
          %add3A_173 = arith.addf %scan3A_141, %get3A_172 : vector<16xf32>
          %get3A_174 = arith.index_cast %scan3A_135 : i32 to index
          %get3A_175 = arith.constant 96 : index
          %get3A_176 = tpu.vector_load %arg5[%get3A_174, %get3A_175] {strides = array<i32>} : memref<400x128xf32, #tpu.memory_space<vmem>>, vector<1x16xf32>,
          %get3A_177 = vector.shape_cast %get3A_176 : vector<1x16xf32> to vector<16xf32>
          %add3A_178 = arith.addf %scan3A_142, %get3A_177 : vector<16xf32>
          %get3A_179 = arith.index_cast %scan3A_135 : i32 to index
          %get3A_180 = arith.constant 112 : index
          %get3A_181 = tpu.vector_load %arg5[%get3A_179, %get3A_180] {strides = array<i32>} : memref<400x128xf32, #tpu.memory_space<vmem>>, vector<1x16xf32>,
          %get3A_182 = vector.shape_cast %get3A_181 : vector<1x16xf32> to vector<16xf32>
          %add3A_183 = arith.addf %scan3A_143, %get3A_182 : vector<16xf32>
          scf.yield %add3A_148, %add3A_153, %add3A_158, %add3A_163, %add3A_168, %add3A_173, %add3A_178, %add3A_183 : vector<16xf32>, vector<16xf32>, vector<16xf32>, vector<16xf32>, vector<16xf32>, vector<16xf32>, vector<16xf32>, vector<16xf32>
        }
        %scan3A_102 = arith.constant 400 : i32
        %add3A_103 = arith.constant 2 : i32
        %add3A_104 = arith.addi %add3A_89, %add3A_103 : i32
        %lt3A_105 = arith.constant 10 : i32
        %lt3A_106 = arith.cmpi slt, %add3A_104, %lt3A_105 : i32
        %convert_element_type3A_107 = arith.extui %lt3A_106 : i1 to i32
        %cond3A_108 = arith.constant 0 : i32
        %cond3A_109 = arith.cmpi ne, %convert_element_type3A_107, %cond3A_108 : i32
        scf.if %cond3A_109 {
          %add3A_135 = arith.constant 2 : i32
          %add3A_136 = arith.addi %add3A_89, %add3A_135 : i32
          %mul3A_137 = arith.constant 400 : i32
          %mul3A_138 = arith.muli %add3A_136, %mul3A_137 : i32
          %add3A_139 = arith.addi %mul3A_4, %mul3A_138 : i32
          %multiple_of3A_140 = tpu.assume_multiple %add3A_139, 8 : i32
          %dma_start3A_141 = arith.constant 384 : i32
          %dma_start3A_142 = tpu.memref_slice %arg2[%multiple_of3A_140, %dma_start3A_141] : memref<64000x512xf32, #tpu.memory_space<hbm>> -> memref<400x128xf32, #tpu.memory_space<hbm>>
          %dma_start3A_143 = arith.constant 384 : i32
          %dma_start3A_144 = tpu.memref_slice %arg2[%multiple_of3A_140, %dma_start3A_143] : memref<64000x512xf32, #tpu.memory_space<hbm>> -> memref<400x128xf32, #tpu.memory_space<hbm>>
          tpu.enqueue_dma source(%dma_start3A_144 : memref<400x128xf32, #tpu.memory_space<hbm>>) target(%arg5 : memref<400x128xf32, #tpu.memory_space<vmem>>) target_semaphore(%arg9 : memref<!tpu.dma_semaphore, #tpu.memory_space<semaphore_mem>>)
        } else {
        }
        %mul3A_110 = arith.constant 2 : i32
        %mul3A_111 = arith.muli %scan3A_77, %mul3A_110 : i32
        %add3A_112 = arith.constant 1 : i32
        %add3A_113 = arith.addi %mul3A_111, %add3A_112 : i32
        %mul3A_114 = arith.constant 400 : i32
        %mul3A_115 = arith.muli %add3A_113, %mul3A_114 : i32
        %add3A_116 = arith.addi %mul3A_4, %mul3A_115 : i32
        %multiple_of3A_117 = tpu.assume_multiple %add3A_116, 8 : i32
        %dma_wait3A_118 = arith.constant 384 : i32
        %dma_wait3A_119 = tpu.memref_slice %arg2[%multiple_of3A_117, %dma_wait3A_118] : memref<64000x512xf32, #tpu.memory_space<hbm>> -> memref<400x128xf32, #tpu.memory_space<hbm>>
        %dma_wait3A_120 = arith.constant 384 : i32
        %dma_wait3A_121 = tpu.memref_slice %arg2[%multiple_of3A_117, %dma_wait3A_120] : memref<64000x512xf32, #tpu.memory_space<hbm>> -> memref<400x128xf32, #tpu.memory_space<hbm>>
        tpu.wait_dma2 semaphore(%arg10 : memref<!tpu.dma_semaphore, #tpu.memory_space<semaphore_mem>>) src(%dma_wait3A_121 : memref<400x128xf32, #tpu.memory_space<hbm>>) dst(%arg6 : memref<400x128xf32, #tpu.memory_space<vmem>>)
        %scan3A_122 = arith.constant 0 : i32
        %scan3A_123 = arith.constant 400 : i32
        %scan3A_124 = arith.addi %scan3A_122, %scan3A_123 : i32
        %scan3A_125 = arith.constant 1 : i32
        %scan3A_126:8 = scf.for %scan3A_135 = %scan3A_122 to %scan3A_124 step %scan3A_125 iter_args(%scan3A_136 = %scan3A_101#0, %scan3A_137 = %scan3A_101#1, %scan3A_138 = %scan3A_101#2, %scan3A_139 = %scan3A_101#3, %scan3A_140 = %scan3A_101#4, %scan3A_141 = %scan3A_101#5, %scan3A_142 = %scan3A_101#6, %scan3A_143 = %scan3A_101#7) -> (vector<16xf32>, vector<16xf32>, vector<16xf32>, vector<16xf32>, vector<16xf32>, vector<16xf32>, vector<16xf32>, vector<16xf32>)  : i32 {
          %get3A_144 = arith.index_cast %scan3A_135 : i32 to index
          %get3A_145 = arith.constant 0 : index
          %get3A_146 = tpu.vector_load %arg6[%get3A_144, %get3A_145] {strides = array<i32>} : memref<400x128xf32, #tpu.memory_space<vmem>>, vector<1x16xf32>,
          %get3A_147 = vector.shape_cast %get3A_146 : vector<1x16xf32> to vector<16xf32>
          %add3A_148 = arith.addf %scan3A_136, %get3A_147 : vector<16xf32>
          %get3A_149 = arith.index_cast %scan3A_135 : i32 to index
          %get3A_150 = arith.constant 16 : index
          %get3A_151 = tpu.vector_load %arg6[%get3A_149, %get3A_150] {strides = array<i32>} : memref<400x128xf32, #tpu.memory_space<vmem>>, vector<1x16xf32>,
          %get3A_152 = vector.shape_cast %get3A_151 : vector<1x16xf32> to vector<16xf32>
          %add3A_153 = arith.addf %scan3A_137, %get3A_152 : vector<16xf32>
          %get3A_154 = arith.index_cast %scan3A_135 : i32 to index
          %get3A_155 = arith.constant 32 : index
          %get3A_156 = tpu.vector_load %arg6[%get3A_154, %get3A_155] {strides = array<i32>} : memref<400x128xf32, #tpu.memory_space<vmem>>, vector<1x16xf32>,
          %get3A_157 = vector.shape_cast %get3A_156 : vector<1x16xf32> to vector<16xf32>
          %add3A_158 = arith.addf %scan3A_138, %get3A_157 : vector<16xf32>
          %get3A_159 = arith.index_cast %scan3A_135 : i32 to index
          %get3A_160 = arith.constant 48 : index
          %get3A_161 = tpu.vector_load %arg6[%get3A_159, %get3A_160] {strides = array<i32>} : memref<400x128xf32, #tpu.memory_space<vmem>>, vector<1x16xf32>,
          %get3A_162 = vector.shape_cast %get3A_161 : vector<1x16xf32> to vector<16xf32>
          %add3A_163 = arith.addf %scan3A_139, %get3A_162 : vector<16xf32>
          %get3A_164 = arith.index_cast %scan3A_135 : i32 to index
          %get3A_165 = arith.constant 64 : index
          %get3A_166 = tpu.vector_load %arg6[%get3A_164, %get3A_165] {strides = array<i32>} : memref<400x128xf32, #tpu.memory_space<vmem>>, vector<1x16xf32>,
          %get3A_167 = vector.shape_cast %get3A_166 : vector<1x16xf32> to vector<16xf32>
          %add3A_168 = arith.addf %scan3A_140, %get3A_167 : vector<16xf32>
          %get3A_169 = arith.index_cast %scan3A_135 : i32 to index
          %get3A_170 = arith.constant 80 : index
          %get3A_171 = tpu.vector_load %arg6[%get3A_169, %get3A_170] {strides = array<i32>} : memref<400x128xf32, #tpu.memory_space<vmem>>, vector<1x16xf32>,
          %get3A_172 = vector.shape_cast %get3A_171 : vector<1x16xf32> to vector<16xf32>
          %add3A_173 = arith.addf %scan3A_141, %get3A_172 : vector<16xf32>
          %get3A_174 = arith.index_cast %scan3A_135 : i32 to index
          %get3A_175 = arith.constant 96 : index
          %get3A_176 = tpu.vector_load %arg6[%get3A_174, %get3A_175] {strides = array<i32>} : memref<400x128xf32, #tpu.memory_space<vmem>>, vector<1x16xf32>,
          %get3A_177 = vector.shape_cast %get3A_176 : vector<1x16xf32> to vector<16xf32>
          %add3A_178 = arith.addf %scan3A_142, %get3A_177 : vector<16xf32>
          %get3A_179 = arith.index_cast %scan3A_135 : i32 to index
          %get3A_180 = arith.constant 112 : index
          %get3A_181 = tpu.vector_load %arg6[%get3A_179, %get3A_180] {strides = array<i32>} : memref<400x128xf32, #tpu.memory_space<vmem>>, vector<1x16xf32>,
          %get3A_182 = vector.shape_cast %get3A_181 : vector<1x16xf32> to vector<16xf32>
          %add3A_183 = arith.addf %scan3A_143, %get3A_182 : vector<16xf32>
          scf.yield %add3A_148, %add3A_153, %add3A_158, %add3A_163, %add3A_168, %add3A_173, %add3A_178, %add3A_183 : vector<16xf32>, vector<16xf32>, vector<16xf32>, vector<16xf32>, vector<16xf32>, vector<16xf32>, vector<16xf32>, vector<16xf32>
        }
        %scan3A_127 = arith.constant 400 : i32
        %add3A_128 = arith.constant 2 : i32
        %add3A_129 = arith.addi %add3A_113, %add3A_128 : i32
        %lt3A_130 = arith.constant 10 : i32
        %lt3A_131 = arith.cmpi slt, %add3A_129, %lt3A_130 : i32
        %convert_element_type3A_132 = arith.extui %lt3A_131 : i1 to i32
        %cond3A_133 = arith.constant 0 : i32
        %cond3A_134 = arith.cmpi ne, %convert_element_type3A_132, %cond3A_133 : i32
        scf.if %cond3A_134 {
          %add3A_135 = arith.constant 2 : i32
          %add3A_136 = arith.addi %add3A_113, %add3A_135 : i32
          %mul3A_137 = arith.constant 400 : i32
          %mul3A_138 = arith.muli %add3A_136, %mul3A_137 : i32
          %add3A_139 = arith.addi %mul3A_4, %mul3A_138 : i32
          %multiple_of3A_140 = tpu.assume_multiple %add3A_139, 8 : i32
          %dma_start3A_141 = arith.constant 384 : i32
          %dma_start3A_142 = tpu.memref_slice %arg2[%multiple_of3A_140, %dma_start3A_141] : memref<64000x512xf32, #tpu.memory_space<hbm>> -> memref<400x128xf32, #tpu.memory_space<hbm>>
          %dma_start3A_143 = arith.constant 384 : i32
          %dma_start3A_144 = tpu.memref_slice %arg2[%multiple_of3A_140, %dma_start3A_143] : memref<64000x512xf32, #tpu.memory_space<hbm>> -> memref<400x128xf32, #tpu.memory_space<hbm>>
          tpu.enqueue_dma source(%dma_start3A_144 : memref<400x128xf32, #tpu.memory_space<hbm>>) target(%arg6 : memref<400x128xf32, #tpu.memory_space<vmem>>) target_semaphore(%arg10 : memref<!tpu.dma_semaphore, #tpu.memory_space<semaphore_mem>>)
        } else {
        }
        scf.yield %scan3A_126#0, %scan3A_126#1, %scan3A_126#2, %scan3A_126#3, %scan3A_126#4, %scan3A_126#5, %scan3A_126#6, %scan3A_126#7 : vector<16xf32>, vector<16xf32>, vector<16xf32>, vector<16xf32>, vector<16xf32>, vector<16xf32>, vector<16xf32>, vector<16xf32>
      }
      %scan3A_36 = arith.constant 5 : i32
      "tpu.region"() ({
        %run_scoped3A = tpu.sem_alloc : memref<!tpu.dma_semaphore, #tpu.memory_space<semaphore_mem>>
        %dma_start3A_77 = arith.constant 0 : i32
        %dma_start3A_78 = tpu.memref_slice %arg3[%add3A, %dma_start3A_77] : memref<16x16xf32, #tpu.memory_space<hbm>> -> memref<1x16xf32, #tpu.memory_space<hbm>>
        %dma_start3A_79 = tpu.memref_squeeze %dma_start3A_78 : memref<1x16xf32, #tpu.memory_space<hbm>> -> memref<16xf32, #tpu.memory_space<hbm>>
        %dma_start3A_80 = arith.constant 0 : i32
        %dma_start3A_81 = tpu.memref_slice %arg3[%add3A, %dma_start3A_80] : memref<16x16xf32, #tpu.memory_space<hbm>> -> memref<1x16xf32, #tpu.memory_space<hbm>>
        %dma_start3A_82 = tpu.memref_squeeze %dma_start3A_81 : memref<1x16xf32, #tpu.memory_space<hbm>> -> memref<16xf32, #tpu.memory_space<hbm>>
        tpu.enqueue_dma source(%dma_start3A_82 : memref<16xf32, #tpu.memory_space<hbm>>) target(%arg7 : memref<16xf32, #tpu.memory_space<vmem>>) target_semaphore(%run_scoped3A : memref<!tpu.dma_semaphore, #tpu.memory_space<semaphore_mem>>)
        %dma_wait3A = arith.constant 0 : i32
        %dma_wait3A_83 = tpu.memref_slice %arg3[%add3A, %dma_wait3A] : memref<16x16xf32, #tpu.memory_space<hbm>> -> memref<1x16xf32, #tpu.memory_space<hbm>>
        %dma_wait3A_84 = tpu.memref_squeeze %dma_wait3A_83 : memref<1x16xf32, #tpu.memory_space<hbm>> -> memref<16xf32, #tpu.memory_space<hbm>>
        %dma_wait3A_85 = arith.constant 0 : i32
        %dma_wait3A_86 = tpu.memref_slice %arg3[%add3A, %dma_wait3A_85] : memref<16x16xf32, #tpu.memory_space<hbm>> -> memref<1x16xf32, #tpu.memory_space<hbm>>
        %dma_wait3A_87 = tpu.memref_squeeze %dma_wait3A_86 : memref<1x16xf32, #tpu.memory_space<hbm>> -> memref<16xf32, #tpu.memory_space<hbm>>
        tpu.wait_dma2 semaphore(%run_scoped3A : memref<!tpu.dma_semaphore, #tpu.memory_space<semaphore_mem>>) src(%dma_wait3A_87 : memref<16xf32, #tpu.memory_space<hbm>>) dst(%arg7 : memref<16xf32, #tpu.memory_space<vmem>>)
        tpu.yield
      }) : () -> ()
      %get3A = arith.constant 0 : index
      %get3A_37 = tpu.vector_load %arg7[%get3A] {strides = array<i32>} : memref<16xf32, #tpu.memory_space<vmem>>, vector<16xf32>,
      %get3A_38 = vector.shape_cast %get3A_37 : vector<16xf32> to vector<16xf32>
      %div3A = arith.divf %scan3A_35#0, %get3A_38 : vector<16xf32>
      %swap3A = arith.constant 0 : index
      %swap3A_39 = tpu.vector_load %arg8[%swap3A] {strides = array<i32>} : memref<128xf32, #tpu.memory_space<vmem>>, vector<16xf32>,
      %swap3A_40 = vector.shape_cast %swap3A_39 : vector<16xf32> to vector<16xf32>
      %swap3A_41 = vector.shape_cast %div3A : vector<16xf32> to vector<16xf32>
      tpu.vector_store %arg8[%swap3A], %swap3A_41 {strides = array<i32>} : memref<128xf32, #tpu.memory_space<vmem>>, vector<16xf32>,
      %div3A_42 = arith.divf %scan3A_35#1, %get3A_38 : vector<16xf32>
      %swap3A_43 = arith.constant 16 : index
      %swap3A_44 = tpu.vector_load %arg8[%swap3A_43] {strides = array<i32>} : memref<128xf32, #tpu.memory_space<vmem>>, vector<16xf32>,
      %swap3A_45 = vector.shape_cast %swap3A_44 : vector<16xf32> to vector<16xf32>
      %swap3A_46 = vector.shape_cast %div3A_42 : vector<16xf32> to vector<16xf32>
      tpu.vector_store %arg8[%swap3A_43], %swap3A_46 {strides = array<i32>} : memref<128xf32, #tpu.memory_space<vmem>>, vector<16xf32>,
      %div3A_47 = arith.divf %scan3A_35#2, %get3A_38 : vector<16xf32>
      %swap3A_48 = arith.constant 32 : index
      %swap3A_49 = tpu.vector_load %arg8[%swap3A_48] {strides = array<i32>} : memref<128xf32, #tpu.memory_space<vmem>>, vector<16xf32>,
      %swap3A_50 = vector.shape_cast %swap3A_49 : vector<16xf32> to vector<16xf32>
      %swap3A_51 = vector.shape_cast %div3A_47 : vector<16xf32> to vector<16xf32>
      tpu.vector_store %arg8[%swap3A_48], %swap3A_51 {strides = array<i32>} : memref<128xf32, #tpu.memory_space<vmem>>, vector<16xf32>,
      %div3A_52 = arith.divf %scan3A_35#3, %get3A_38 : vector<16xf32>
      %swap3A_53 = arith.constant 48 : index
      %swap3A_54 = tpu.vector_load %arg8[%swap3A_53] {strides = array<i32>} : memref<128xf32, #tpu.memory_space<vmem>>, vector<16xf32>,
      %swap3A_55 = vector.shape_cast %swap3A_54 : vector<16xf32> to vector<16xf32>
      %swap3A_56 = vector.shape_cast %div3A_52 : vector<16xf32> to vector<16xf32>
      tpu.vector_store %arg8[%swap3A_53], %swap3A_56 {strides = array<i32>} : memref<128xf32, #tpu.memory_space<vmem>>, vector<16xf32>,
      %div3A_57 = arith.divf %scan3A_35#4, %get3A_38 : vector<16xf32>
      %swap3A_58 = arith.constant 64 : index
      %swap3A_59 = tpu.vector_load %arg8[%swap3A_58] {strides = array<i32>} : memref<128xf32, #tpu.memory_space<vmem>>, vector<16xf32>,
      %swap3A_60 = vector.shape_cast %swap3A_59 : vector<16xf32> to vector<16xf32>
      %swap3A_61 = vector.shape_cast %div3A_57 : vector<16xf32> to vector<16xf32>
      tpu.vector_store %arg8[%swap3A_58], %swap3A_61 {strides = array<i32>} : memref<128xf32, #tpu.memory_space<vmem>>, vector<16xf32>,
      %div3A_62 = arith.divf %scan3A_35#5, %get3A_38 : vector<16xf32>
      %swap3A_63 = arith.constant 80 : index
      %swap3A_64 = tpu.vector_load %arg8[%swap3A_63] {strides = array<i32>} : memref<128xf32, #tpu.memory_space<vmem>>, vector<16xf32>,
      %swap3A_65 = vector.shape_cast %swap3A_64 : vector<16xf32> to vector<16xf32>
      %swap3A_66 = vector.shape_cast %div3A_62 : vector<16xf32> to vector<16xf32>
      tpu.vector_store %arg8[%swap3A_63], %swap3A_66 {strides = array<i32>} : memref<128xf32, #tpu.memory_space<vmem>>, vector<16xf32>,
      %div3A_67 = arith.divf %scan3A_35#6, %get3A_38 : vector<16xf32>
      %swap3A_68 = arith.constant 96 : index
      %swap3A_69 = tpu.vector_load %arg8[%swap3A_68] {strides = array<i32>} : memref<128xf32, #tpu.memory_space<vmem>>, vector<16xf32>,
      %swap3A_70 = vector.shape_cast %swap3A_69 : vector<16xf32> to vector<16xf32>
      %swap3A_71 = vector.shape_cast %div3A_67 : vector<16xf32> to vector<16xf32>
      tpu.vector_store %arg8[%swap3A_68], %swap3A_71 {strides = array<i32>} : memref<128xf32, #tpu.memory_space<vmem>>, vector<16xf32>,
      %div3A_72 = arith.divf %scan3A_35#7, %get3A_38 : vector<16xf32>
      %swap3A_73 = arith.constant 112 : index
      %swap3A_74 = tpu.vector_load %arg8[%swap3A_73] {strides = array<i32>} : memref<128xf32, #tpu.memory_space<vmem>>, vector<16xf32>,
      %swap3A_75 = vector.shape_cast %swap3A_74 : vector<16xf32> to vector<16xf32>
      %swap3A_76 = vector.shape_cast %div3A_72 : vector<16xf32> to vector<16xf32>
      tpu.vector_store %arg8[%swap3A_73], %swap3A_76 {strides = array<i32>} : memref<128xf32, #tpu.memory_space<vmem>>, vector<16xf32>,
      "tpu.region"() ({
        %run_scoped3A = tpu.sem_alloc : memref<!tpu.dma_semaphore, #tpu.memory_space<semaphore_mem>>
        %dma_start3A_77 = arith.constant 0 : i32
        %dma_start3A_78 = tpu.memref_slice %arg4[%add3A, %dma_start3A_77] : memref<16x128xf32, #tpu.memory_space<hbm>> -> memref<1x128xf32, #tpu.memory_space<hbm>>
        %dma_start3A_79 = tpu.memref_squeeze %dma_start3A_78 : memref<1x128xf32, #tpu.memory_space<hbm>> -> memref<128xf32, #tpu.memory_space<hbm>>
        %dma_start3A_80 = arith.constant 0 : i32
        %dma_start3A_81 = tpu.memref_slice %arg4[%add3A, %dma_start3A_80] : memref<16x128xf32, #tpu.memory_space<hbm>> -> memref<1x128xf32, #tpu.memory_space<hbm>>
        %dma_start3A_82 = tpu.memref_squeeze %dma_start3A_81 : memref<1x128xf32, #tpu.memory_space<hbm>> -> memref<128xf32, #tpu.memory_space<hbm>>
        tpu.enqueue_dma source(%arg8 : memref<128xf32, #tpu.memory_space<vmem>>) target(%dma_start3A_82 : memref<128xf32, #tpu.memory_space<hbm>>) target_semaphore(%run_scoped3A : memref<!tpu.dma_semaphore, #tpu.memory_space<semaphore_mem>>)
        %dma_wait3A = arith.constant 0 : i32
        %dma_wait3A_83 = tpu.memref_slice %arg4[%add3A, %dma_wait3A] : memref<16x128xf32, #tpu.memory_space<hbm>> -> memref<1x128xf32, #tpu.memory_space<hbm>>
        %dma_wait3A_84 = tpu.memref_squeeze %dma_wait3A_83 : memref<1x128xf32, #tpu.memory_space<hbm>> -> memref<128xf32, #tpu.memory_space<hbm>>
        %dma_wait3A_85 = arith.constant 0 : i32
        %dma_wait3A_86 = tpu.memref_slice %arg4[%add3A, %dma_wait3A_85] : memref<16x128xf32, #tpu.memory_space<hbm>> -> memref<1x128xf32, #tpu.memory_space<hbm>>
        %dma_wait3A_87 = tpu.memref_squeeze %dma_wait3A_86 : memref<1x128xf32, #tpu.memory_space<hbm>> -> memref<128xf32, #tpu.memory_space<hbm>>
        tpu.wait_dma2 semaphore(%run_scoped3A : memref<!tpu.dma_semaphore, #tpu.memory_space<semaphore_mem>>) src(%arg8 : memref<128xf32, #tpu.memory_space<vmem>>) dst(%dma_wait3A_87 : memref<128xf32, #tpu.memory_space<hbm>>)
        tpu.yield
      }) : () -> ()
    } else {
    }
    return
  }
}

module attributes {stable_mosaic.version = 14 : i64} {
  func.func @body(%arg0: i32, %arg1: memref<16x400x384xf32, #tpu.memory_space<vmem>>, %arg2: memref<16x1xf32, #tpu.memory_space<vmem>>, %arg3: memref<16x384xf32, #tpu.memory_space<vmem>>) attributes {dimension_semantics = [#tpu.dimension_semantics<arbitrary>], iteration_bounds = array<i64: 10>, scalar_prefetch = 0 : i64, scratch_operands = 0 : i64, tpu.core_type = #tpu.core_type<tc>, window_params = [{transform_indices = @transform_0, window_bounds = array<i64: 16, 400, 384>}, {pipeline_mode = #tpu.pipeline_mode<synchronous>, transform_indices = @transform_1, window_bounds = array<i64: 16, 1>}, {pipeline_mode = #tpu.pipeline_mode<synchronous>, transform_indices = @transform_2, window_bounds = array<i64: 16, 384>}]} {
    %eq3A = arith.constant 0 : i32
    %eq3A_0 = arith.cmpi eq, %arg0, %eq3A : i32
    %convert_element_type3A = arith.extui %eq3A_0 : i1 to i32
    %cond3A = arith.constant 0 : i32
    %cond3A_1 = arith.cmpi ne, %convert_element_type3A, %cond3A : i32
    scf.if %cond3A_1 {
      %broadcast_in_dim3A = arith.constant 0.000000e+00 : f32
      %broadcast_in_dim3A_16 = vector.broadcast %broadcast_in_dim3A : f32 to vector<16x384xf32>
      %swap3A_17 = arith.constant 0 : index
      %swap3A_18 = arith.constant 0 : index
      %swap3A_19 = vector.load %arg3[%swap3A_17, %swap3A_18] : memref<16x384xf32, #tpu.memory_space<vmem>>, vector<16x384xf32>
      tpu.vector_store %arg3[%swap3A_17, %swap3A_18], %broadcast_in_dim3A_16 {strides = array<i32>} : memref<16x384xf32, #tpu.memory_space<vmem>>, vector<16x384xf32>,
    } else {
    }
    %get3A = arith.constant 0 : index
    %get3A_2 = arith.constant 0 : index
    %get3A_3 = vector.load %arg3[%get3A, %get3A_2] : memref<16x384xf32, #tpu.memory_space<vmem>>, vector<16x384xf32>
    %get3A_4 = arith.constant 0 : index
    %get3A_5 = arith.constant 0 : index
    %get3A_6 = arith.constant 0 : index
    %get3A_7 = vector.load %arg1[%get3A_4, %get3A_5, %get3A_6] : memref<16x400x384xf32, #tpu.memory_space<vmem>>, vector<16x400x384xf32>
    %reduce_sum3A = arith.constant dense<0.000000e+00> : vector<16x384xf32>
    %reduce_sum3A_8 = vector.multi_reduction <add>, %get3A_7, %reduce_sum3A [1] : vector<16x400x384xf32> to vector<16x384xf32>
    %add3A = arith.addf %get3A_3, %reduce_sum3A_8 : vector<16x384xf32>
    %swap3A = arith.constant 0 : index
    %swap3A_9 = arith.constant 0 : index
    %swap3A_10 = vector.load %arg3[%swap3A, %swap3A_9] : memref<16x384xf32, #tpu.memory_space<vmem>>, vector<16x384xf32>
    tpu.vector_store %arg3[%swap3A, %swap3A_9], %add3A {strides = array<i32>} : memref<16x384xf32, #tpu.memory_space<vmem>>, vector<16x384xf32>,
    %eq3A_11 = arith.constant 9 : i32
    %eq3A_12 = arith.cmpi eq, %arg0, %eq3A_11 : i32
    %convert_element_type3A_13 = arith.extui %eq3A_12 : i1 to i32
    %cond3A_14 = arith.constant 0 : i32
    %cond3A_15 = arith.cmpi ne, %convert_element_type3A_13, %cond3A_14 : i32
    scf.if %cond3A_15 {
      %get3A_16 = arith.constant 0 : index
      %get3A_17 = arith.constant 0 : index
      %get3A_18 = vector.load %arg3[%get3A_16, %get3A_17] : memref<16x384xf32, #tpu.memory_space<vmem>>, vector<16x384xf32>
      %get3A_19 = arith.constant 0 : index
      %get3A_20 = arith.constant 0 : index
      %get3A_21 = vector.load %arg2[%get3A_19, %get3A_20] : memref<16x1xf32, #tpu.memory_space<vmem>>, vector<16x1xf32>
      %div3A = vector.broadcast %get3A_21 : vector<16x1xf32> to vector<16x384xf32>
      %div3A_22 = arith.divf %get3A_18, %div3A : vector<16x384xf32>
      %swap3A_23 = arith.constant 0 : index
      %swap3A_24 = arith.constant 0 : index
      %swap3A_25 = vector.load %arg3[%swap3A_23, %swap3A_24] : memref<16x384xf32, #tpu.memory_space<vmem>>, vector<16x384xf32>
      tpu.vector_store %arg3[%swap3A_23, %swap3A_24], %div3A_22 {strides = array<i32>} : memref<16x384xf32, #tpu.memory_space<vmem>>, vector<16x384xf32>,
    } else {
    }
    return
  }
  func.func @transform_0(%arg0: i32) -> (i32, i32, i32) {
    %c0_i32 = arith.constant 0 : i32
    %c0_i32_0 = arith.constant 0 : i32
    %c0_i32_1 = arith.constant 0 : i32
    return %c0_i32, %arg0, %c0_i32_0 : i32, i32, i32
  }
  func.func @transform_1(%arg0: i32) -> (i32, i32) {
    %c0_i32 = arith.constant 0 : i32
    %c0_i32_0 = arith.constant 0 : i32
    %c0_i32_1 = arith.constant 0 : i32
    return %c0_i32, %c0_i32_0 : i32, i32
  }
  func.func @transform_2(%arg0: i32) -> (i32, i32) {
    %c0_i32 = arith.constant 0 : i32
    %c0_i32_0 = arith.constant 0 : i32
    %c0_i32_1 = arith.constant 0 : i32
    return %c0_i32, %c0_i32_0 : i32, i32
  }
}

</mosaic_0001>

<sc_bundles>
// kernel: kernel.4.cloned.1.call-start
scs
__scs_entry_jumppad:
0x0: {  	(pc) =	sbr.rel $0x88, $3  }
0x1: {  	(tag) =	ssettag $0x0;
	lr =	simm.s32 $0x1  }
0x2: {  	[smem:$0x3F9E] =	sst lr;
	_ =	strace $0xD0000000  }
0x3: {  	_ = 	snop  }
0x4: {  	_ = 	snop  }
0x5: {  	_ = 	snop  }
0x6: {  	_ = 	snop  }
0x7: {  	_ = 	snop  }
__scs_overlays_trampoline_lowered:
0x8: {  	[smem:$0x3FAD] =	sst s0  }
0x9: {  	[smem:$0x3FAE] =	sst s1  }
0xa: {  	[smem:$0x3FAF] =	sst s2  }
0xb: {  	[smem:$0x3FB0] =	sst s3  }
0xc: {  	[smem:$0x3FB1] =	sst s4  }
0xd: {  	[smem:$0x3FB2] =	sst s5  }
0xe: {  	[smem:$0x3FB3] =	sst s6  }
0xf: {  	[smem:$0x3FB4] =	sst s7  }
0x10: {  	[smem:$0x3FB5] =	sst s8  }
0x11: {  	[smem:$0x3FB6] =	sst s9;
	s0 =	simm.s32 @!p0 $0x0  }
0x12: {  	s1 =	sld [smem:$0x3F9C];
	s0 =	simm.s32 @p0 $0x1  }
0x13: {  	[smem:$0x3FB7] =	sst s0;
	s0 =	simm.s32 @!p1 $0x0  }
0x14: {  	s2 =	sld [smem:$0x3F9B];
	s0 =	simm.s32 @p1 $0x1  }
0x15: {  	[smem:$0x3FB8] =	sst s0;
	s0 =	simm.s32 @!p2 $0x0  }
0x16: {  	s3 =	sld [smem:$0x3FDB];
	s0 =	simm.s32 @p2 $0x1  }
0x17: {  	s4 =	simm.s32 $0x1BF5;
	[smem:$0x3FBA] =	sst s0  }
0x18: {  	s0 =	sld [smem:$0x3F9D];
	_ =	swait.ge [sflag:s4], $0x0  }
0x19: {  	s7 =	sld [smem:$0x3F9E]  }
0x1a: {  	s8 =	sadd.s32 $0xFFFFE003, lr  }
0x1b: {  	s9 =	sadd.s32 $0xFFFFFEF7, lr;
	s5 =	simm.s32 $0xFFFFFFFF;
	p2 =	slt.u32 s8, $0xFFFFF086  }
0x1c: {  	p1 =	slt.u32 s9, $0xF7A;
	s5 =	simm.s32 @!p2 $0x0  }
0x1d: {  	s5 =	simm.s32 @p1 $0x1;
	p0 =	seq.s32 s7, s2  }
0x1e: {  	s7 =	smul.u32 @!p0 $0xF7A, s2;
	p2 =	seq.s32 @!p0 s5, $0x0  }
0x1f: {  	s9 =	smul.u32 $0xF7A, s1;
	s8 =	simm.s32 @!p0 $0x1BF5;
	p2 =	por !p2, p0  }
0x20: {  	[sflag:s8] =	ssyncset.s32 @!p0 $0xFFFFF086;
	s6 =	sadd.s32 @!p0 s3, s7;
	s7 =	simm.s32 @!p0 $0x108  }
0x21: {  	s3 =	sadd.s32 s3, s9;
	s6 =	sadd.s32 @!p0 $0x88, s6;
	s7 =	simm.s32 @p2 $0x1082  }
0x22: {  	[simem:s7], [sflag:s8] =	dma.local @!p0 [hbm:s6], $0xF7A  }
0x23: {  	s9 =	sor.u32 $0xD0000000, s2;
	s6 =	simm.s32 $0x108;
	_ =	swait.ge @!p0 [sflag:s8], $0x0  }
0x24: {  	s3 =	sadd.s32 $0x88, s3;
	s6 =	simm.s32 @!p1 $0x1082;
	[sflag:s4] =	ssyncset.s32 $0xFFFFF086  }
0x25: {  	[simem:s6], [sflag:s4] =	dma.local [hbm:s3], $0xF7A  }
0x26: {  	[smem:$0x3F9E] =	sst s1;
	(tag) =	ssettag s2;
	_ =	strace s9  }
0x27: {  	s1 =	sld [smem:$0x3FAE]  }
0x28: {  	s2 =	sld [smem:$0x3FAF]  }
0x29: {  	s4 =	sld [smem:$0x3FB1]  }
0x2a: {  	p0 =	seq.s32 s5, $0x0;
	s5 =	sld [smem:$0x3FB2]  }
0x2b: {  	s6 =	sld [smem:$0x3FB3]  }
0x2c: {  	s7 =	sld [smem:$0x3FB4]  }
0x2d: {  	s3 =	simm.s32 $0x108;
	s8 =	sld [smem:$0x3FB5]  }
0x2e: {  	s3 =	simm.s32 @!p0 $0x1082;
	s9 =	sld [smem:$0x3FB6]  }
0x2f: {  	lr =	sadd.s32 s0, s3;
	s0 =	sld [smem:$0x3FAD]  }
0x30: {  	s3 =	sld [smem:$0x3FB0]  }
0x31: {  	[smem:$0x3FB9] =	sst s10  }
0x32: {  	s10 =	sld [smem:$0x3FB7];
	_ =	sdelay $0x3  }
0x33: {  	p0 =	seq.s32 s10, $0x1;
	s10 =	sld [smem:$0x3FB9];
	_ =	sdelay $0x3  }
0x34: {  	[smem:$0x3FB9] =	sst s10  }
0x35: {  	s10 =	sld [smem:$0x3FB8];
	_ =	sdelay $0x3  }
0x36: {  	p1 =	seq.s32 s10, $0x1;
	s10 =	sld [smem:$0x3FB9];
	_ =	sdelay $0x3  }
0x37: {  	[smem:$0x3FB9] =	sst s10  }
0x38: {  	s10 =	sld [smem:$0x3FBA]  }
0x39: {  	_ = 	snop;
	(pc) =	sbr.ind lr, $3  }
0x3a: {  	_ = 	snop  }
0x3b: {  	_ = 	snop  }
0x3c: {  	p2 =	seq.s32 s10, $0x1;
	s10 =	sld [smem:$0x3FB9]  }
0x3d: {  	_ =	shalt  }
0x3e: {  	_ =	shalt  }
0x3f: {  	_ =	shalt  }
0x40: {  	_ =	shalt  }
0x41: {  	_ =	shalt  }
0x42: {  	_ =	shalt  }
0x43: {  	_ =	shalt  }
0x44: {  	_ =	shalt  }
0x45: {  	_ =	shalt  }
0x46: {  	_ =	shalt  }
0x47: {  	_ =	shalt  }
0x48: {  	_ =	shalt  }
0x49: {  	_ =	shalt  }
0x4a: {  	_ =	shalt  }
0x4b: {  	_ =	shalt  }
0x4c: {  	_ =	shalt  }
0x4d: {  	_ =	shalt  }
0x4e: {  	_ =	shalt  }
0x4f: {  	_ =	shalt  }
0x50: {  	_ =	shalt  }
0x51: {  	_ =	shalt  }
0x52: {  	_ =	shalt  }
0x53: {  	_ =	shalt  }
0x54: {  	_ =	shalt  }
0x55: {  	_ =	shalt  }
0x56: {  	_ =	shalt  }
0x57: {  	_ =	shalt  }
0x58: {  	_ =	shalt  }
0x59: {  	_ =	shalt  }
0x5a: {  	_ =	shalt  }
0x5b: {  	_ =	shalt  }
0x5c: {  	_ =	shalt  }
0x5d: {  	_ =	shalt  }
0x5e: {  	_ =	shalt  }
0x5f: {  	_ =	shalt  }
0x60: {  	_ =	shalt  }
0x61: {  	_ =	shalt  }
0x62: {  	_ =	shalt  }
0x63: {  	_ =	shalt  }
0x64: {  	_ =	shalt  }
0x65: {  	_ =	shalt  }
0x66: {  	_ =	shalt  }
0x67: {  	_ =	shalt  }
0x68: {  	_ =	shalt  }
0x69: {  	_ =	shalt  }
0x6a: {  	_ =	shalt  }
0x6b: {  	_ =	shalt  }
0x6c: {  	_ =	shalt  }
0x6d: {  	_ =	shalt  }
0x6e: {  	_ =	shalt  }
0x6f: {  	_ =	shalt  }
0x70: {  	_ =	shalt  }
0x71: {  	_ =	shalt  }
0x72: {  	_ =	shalt  }
0x73: {  	_ =	shalt  }
0x74: {  	_ =	shalt  }
0x75: {  	_ =	shalt  }
0x76: {  	_ =	shalt  }
0x77: {  	_ =	shalt  }
0x78: {  	_ =	shalt  }
0x79: {  	_ =	shalt  }
0x7a: {  	_ =	shalt  }
0x7b: {  	_ =	shalt  }
0x7c: {  	_ =	shalt  }
0x7d: {  	_ =	shalt  }
0x7e: {  	_ =	shalt  }
0x7f: {  	_ =	shalt  }
0x80: {  	_ =	shalt  }
0x81: {  	_ =	shalt  }
0x82: {  	_ =	shalt  }
0x83: {  	_ =	shalt  }
0x84: {  	_ =	shalt  }
0x85: {  	_ =	shalt  }
0x86: {  	_ =	shalt  }
0x87: {  	_ =	shalt  }
.Lfunc_end0:
.L_simem_size_0:
called_computation_lowered:
.L_overlay_start_0:
0x88: {  	s0 =	sld [smem:$0x3FD9]  }
0x89: {  	s1 =	sld [smem:$0x3FFE];
	_ =	sdelay $0x3  }
0x8a: {  	s0 =	sadd.s32 s1, s0  }
0x8b: {  	[smem:$0x3FC5] =	sst s0  }
0x8c: {  	_ = 	snop  }
0x8d: {  	s0 =	sld [smem:$0x3FC9]  }
0x8e: {  	s16 =	sld [smem:$0x3FD0];
	(tm) =	ssettm $0x1  }
0x8f: {  	s2 =	sld [smem:$0x3FFB];
	_ =	sdelay $0x3  }
0x90: {  	_ =	strace s2  }
0x91: {  	s2 =	sld [smem:$0x3FFC];
	_ =	sdelay $0x3  }
0x92: {  	_ =	strace s2  }
0x93: {  	s2 =	sld [smem:$0x3FFD];
	_ =	sdelay $0x3  }
0x94: {  	_ =	strace s2  }
0x95: {  	_ =	strace $0x8FFFFFFF  }
0x96: {  	s17 =	sld [smem:$0x3FDB];
	_ =	sdelay $0x1  }
0x97: {  	s3 =	simm.s32 $_scs_section_size  }
0x98: {  	s4 =	simm.s32 $_size__tile_overlayer_lowered;
	s5 =	simm.s32 $_tile_overlayer_lowered  }
0x99: {  	s20 =	simm.s32 $0x1BFF;
	s19 =	sshll.u32 s5, $0x1;
	s2 =	sadd.s32 s3, s17  }
0x9a: {  	s6 =	simm.s32 $0x0;
	s18 =	sshll.u32 s4, $0x1;
	s4 =	sadd.s32 s19, s2  }
0x9b: {  	[timem:s6], [sflag:s20] =	dma.local [hbm:s4], s18  }
0x9c: {  	_ =	swait.ge [sflag:s20], s18  }
0x9d: {  	s3 =	ssub.s32 $0x0, s18;
	[sflag:s20] =	ssyncset.done $0x0  }
0x9e: {  	[sflag:s20] =	ssyncadd.s32 s3;
	_ =	sdelay $0x1  }
0x9f: {  	s21 =	simm.s32 $0x1B8B  }
0xa0: {  	_ =	swait.ge [sflag:s21], $0x1  }
0xa1: {  	[sflag:s21] =	ssyncset.done $0x0  }
0xa2: {  	s23 =	simm.s32 $0x1B8E;
	s22 =	sld [smem:$0x3FFE];
	[sflag:s21] =	ssyncadd.s32 $0xFFFFFFFF  }
0xa3: {  	s24 =	simm.s32 $execute0_lowered;
	[smem:$0x3FD2] =	sst s23  }
0xa4: {  	s4 =	sshll.u32 s24, $0x1;
	_ =	strace $0x80000046;
	[dreg:$0x1] =	wrdreg $0xFFFFFFFF  }
0xa5: {  	s25 =	simm.s32 $_size_execute0_lowered;
	s2 =	sadd.s32 s2, s4;
	[dreg:$0x0] =	wrdreg $0x0  }
0xa6: {  	s4 =	sshll.u32 s25, $0x1;
	[dreg:$0x2] =	wrdreg s2  }
0xa7: {  	[dreg:$0x3] =	wrdreg s4  }
0xa8: {  	[dreg:$0x4] =	wrdreg $0xC0  }
0xa9: {  	_ =	task [dreg:s6], $0x5FFFF  }
0xaa: {  	[dreg:$0x1] =	wrdreg $0xFFFFFFFF  }
0xab: {  	[dreg:$0x0] =	wrdreg $0x60  }
0xac: {  	[dreg:$0x2] =	wrdreg s0  }
0xad: {  	[dreg:$0x3] =	wrdreg s16  }
0xae: {  	[dreg:$0x4] =	wrdreg s22  }
0xaf: {  	[dreg:$0x5] =	wrdreg $0x9  }
0xb0: {  	_ =	task.clear_ibuf [dreg:s6], $0x6FFFF;
	_ =	strace $0x90000046  }
0xb1: {  	s26 =	simm.s32 $0x9;
	_ =	strace $0x80000048  }
0xb2: {  	_ =	swait.ge [sflag:s26], $0x1  }
0xb3: {  	[sflag:s26] =	ssyncadd.s32 $0xFFFFFFFF  }
0xb4: {  	_ =	strace $0x90000048  }
0xb5: {  	_ =	sfence  }
0xb6: {  	s28 =	sld [smem:$0x0];
	_ =	sdelay $0x1  }
0xb7: {  	s29 =	srdreg.scid  }
0xb8: {  	s30 =	sshll.u32 s29, $0xD;
	s31 =	sshrl.u32 s29, $0x2  }
0xb9: {  	s1 =	sand.u32 $0x1, s29;
	s2 =	sand.u32 $0x4000, s30;
	s0 =	sadd.s32 s31, s28  }
0xba: {  	s1 =	sor.u32 s2, s1;
	s0 =	sshll.u32 s0, $0x11  }
0xbb: {  	s0 =	sor.u32 s0, s1  }
0xbc: {  	s0 =	sadd.s32 $0x8F2B, s0  }
0xbd: {  	[sflag:s0] =	ssyncadd.remote.s32 $0x1  }
0xbe: {  	_ =	sfence.sel $0xFFFF  }
0xbf: {  	[dreg:$0x0] =	wrdreg $0xFFFFFFFF;
	(pc) =	sbr.abs _section_cstart, $3  }
0xc0: {  	[dreg:$0x1] =	wrdreg $0xFFFFFFFF  }
0xc1: {  	_ =	task.clear_ibuf [dreg:s6], $0x2FFFF;
	_ =	strace $0x9FFFFFFF  }
0xc2: {  	(tm) =	ssettm $0x7FFFFFFF  }
0xc3: {  	_ =	shalt  }
tec
execute0_lowered:
.L_overlay_start_1:
0x0: {  	(tag) =	ssettag $0x1  }
0x1: {  	s2 =	rddreg [dreg:$0x0]  }
0x2: {  	s3 =	rddreg [dreg:$0x1]  }
0x3: {  	s0 =	stileid.u32;
	s9 =	rddreg [dreg:$0x2]  }
0x4: {  	s1 =	rddreg [dreg:$0x3];
	s6 =	smul.u32 $0x3E800, s0  }
0x5: {  	s4 =	simm.s32 $0x0;
	s11 =	simm.s32 $0x1;
	s7 =	smul.u32 $0x1F4000, s0  }
0x6: {  	s12 =	simm.s32 $0x2;
	[smem:$0x7FF] =	sst s4;
	s5 =	sadd.s32 $0x180, s2  }
0x7: {  	_ =	strace $0x80000047;
	s8 =	sadd.s32 s6, s5;
	s31 =	sshrl.u32 s7, $0x3  }
0x8: {  	s6 =	simm.s32 $0x400;
	s7 =	simm.s32 $0x1000;
	s2 =	sadd.s32 s2, s31  }
0x9: {  	[tilespmem:s4], [sflag:$0x1] =	stream.strided.gather [hbm4b:s8+s6], $0xC800, s7, s6, $0x38;
	[tilespmem:$0x19100] =	vst v63  }
0xa: {  	v5 =	vimm.f32 $0.0e+00;
	v0 =	vimm.f32 $0.0e+00;
	s10 =	smul.u32 $0xFA0, s0;
	s8 =	simm.s32 $0xC800;
	s2 =	sadd.s32 $0x6580, s2  }
0xb: {  	v1 =	vimm.f32 $0.0e+00;
	v2 =	vimm.f32 $0.0e+00;
	v3 =	vimm.f32 $0.0e+00;
	[tilespmem:s8], [sflag:$0x2] =	stream.strided.gather [hbm4b:s2+s6], $0xC800, s7, s6, $0x38;
	[tilespmem:$0x19100] =	vst v63  }
0xc: {  	v4 =	vimm.f32 $0.0e+00;
	v7 =	vimm.f32 $0.0e+00;
	v6 =	vimm.f32 $0.0e+00;
	s2 =	sadd.s32 $0x400, s9;
	s9 =	sadd.s32 $0x320, s10;
	s10 =	sadd.s32 $0x4B0, s10  }
.LBB2_1:
0xd: {  	_ =	swait.ge [sflag:s11], $0xC800  }
0xe: {  	[sflag:s11] =	ssyncset.done $0x0  }
0xf: {  	s15 =	simm.s32 $0x0;
	[sflag:s11] =	ssyncadd.s32 $0xFFFF3800  }
0x10: {  	v11 =	vld [tilespmem:s15+$0x70]  }
0x11: {  	v12 =	vld [tilespmem:s15+$0x0]  }
0x12: {  	v13 =	vld [tilespmem:s15+$0x10]  }
0x13: {  	v9 =	vld [tilespmem:s15+$0x20]  }
0x14: {  	v10 =	vld [tilespmem:s15+$0x30]  }
0x15: {  	v8 =	vld [tilespmem:s15+$0x40]  }
0x16: {  	v5 =	vadd.f32 v11, v5;
	v11 =	vld [tilespmem:s15+$0x50]  }
0x17: {  	s13 =	simm.s32 $0x80;
	s14 =	simm.s32 $0x400;
	v6 =	vadd.f32 v12, v6;
	v7 =	vadd.f32 v13, v7;
	v12 =	vld [tilespmem:s15+$0x60]  }
.LBB2_2:
0x18: {  	p0 =	sne.s32 s14, $0x31E00;
	v13 =	vld [tilespmem:s13+$0x70];
	v4 =	vadd.f32 v9, v4  }
0x19: {  	v14 =	vld [tilespmem:s13+$0x0];
	v3 =	vadd.f32 v10, v3  }
0x1a: {  	v15 =	vld [tilespmem:s13+$0x10];
	v2 =	vadd.f32 v8, v2  }
.Ltmp0:
0x1b: {  	v9 =	vld [tilespmem:s13+$0x20];
	v1 =	vadd.f32 v11, v1;
	(pc) =	sbr.rel @p0 .LBB2_2-.Ltmp0, $4  }
0x1c: {  	v10 =	vld [tilespmem:s13+$0x30];
	v0 =	vadd.f32 v12, v0  }
0x1d: {  	v8 =	vld [tilespmem:s13+$0x40];
	v5 =	vadd.f32 v13, v5  }
0x1e: {  	v6 =	vadd.f32 v14, v6;
	v11 =	vld [tilespmem:s13+$0x50]  }
0x1f: {  	v7 =	vadd.f32 v15, v7;
	v12 =	vld [tilespmem:s13+$0x60];
	s13 =	sshra.s32 s14, $0x2;
	s14 =	sadd.s32 $0x200, s14  }
0x20: {  	v13 =	vld [tilespmem:s13+$0x70]  }
0x21: {  	v14 =	vld [tilespmem:s13+$0x0]  }
0x22: {  	v15 =	vld [tilespmem:s13+$0x10]  }
0x23: {  	p0 =	seq.s32 s4, $0x4;
	v16 =	vld [tilespmem:s13+$0x20]  }
0x24: {  	v17 =	vld [tilespmem:s13+$0x30];
	s14 =	smul.u32 @!p0 $0x320, s4  }
0x25: {  	v18 =	vld [tilespmem:s13+$0x40]  }
0x26: {  	v19 =	vld [tilespmem:s13+$0x50];
	s14 =	sadd.s32 @!p0 s14, s9  }
0x27: {  	v20 =	vld [tilespmem:s13+$0x60];
	s13 =	simm.s32 @!p0 $0x400;
	s14 =	sshll.u32 @!p0 s14, $0x6  }
0x28: {  	s15 =	simm.s32 @!p0 $0x1000;
	s16 =	simm.s32 @!p0 $0x0;
	s14 =	sadd.s32 @!p0 s14, s5  }
0x29: {  	[tilespmem:s16], [sflag:$0x1] =	stream.strided.gather @!p0 [hbm4b:s14+s13], $0xC800, s15, s13, $0x38;
	[tilespmem:$0x19100] =	vst v63  }
0x2a: {  	_ =	swait.ge [sflag:s12], $0xC800  }
0x2b: {  	[sflag:s12] =	ssyncset.done $0x0  }
0x2c: {  	s31 =	simm.s32 $0x0;
	[sflag:s12] =	ssyncadd.s32 $0xFFFF3800  }
0x2d: {  	v4 =	vadd.f32 v9, v4;
	v3 =	vadd.f32 v10, v3;
	v21 =	vld [tilespmem:s31+$0xC870]  }
0x2e: {  	v10 =	vadd.f32 v8, v2;
	v1 =	vadd.f32 v11, v1;
	v22 =	vld [tilespmem:s31+$0xC800]  }
0x2f: {  	v11 =	vadd.f32 v12, v0;
	v5 =	vadd.f32 v13, v5;
	v12 =	vld [tilespmem:s31+$0xC810]  }
0x30: {  	v6 =	vadd.f32 v14, v6;
	v7 =	vadd.f32 v15, v7;
	v8 =	vld [tilespmem:s31+$0xC820]  }
0x31: {  	v2 =	vadd.f32 v16, v4;
	v0 =	vadd.f32 v17, v3;
	v9 =	vld [tilespmem:s31+$0xC830]  }
0x32: {  	v3 =	vadd.f32 v18, v10;
	v1 =	vadd.f32 v19, v1;
	v10 =	vld [tilespmem:s31+$0xC840]  }
0x33: {  	v4 =	vadd.f32 v20, v11;
	v11 =	vld [tilespmem:s31+$0xC850];
	v5 =	vadd.f32 v21, v5  }
0x34: {  	s13 =	simm.s32 $0x80;
	s14 =	simm.s32 $0x400;
	v6 =	vadd.f32 v22, v6;
	v7 =	vadd.f32 v12, v7;
	v12 =	vld [tilespmem:s31+$0xC860]  }
.LBB2_4:
0x35: {  	p1 =	sne.s32 s14, $0x31E00;
	v13 =	vld [tilespmem:s13+$0xC870];
	v2 =	vadd.f32 v8, v2  }
0x36: {  	v14 =	vld [tilespmem:s13+$0xC800];
	v0 =	vadd.f32 v9, v0  }
0x37: {  	v15 =	vld [tilespmem:s13+$0xC810];
	v3 =	vadd.f32 v10, v3  }
.Ltmp1:
0x38: {  	v8 =	vld [tilespmem:s13+$0xC820];
	v1 =	vadd.f32 v11, v1;
	(pc) =	sbr.rel @p1 .LBB2_4-.Ltmp1, $4  }
0x39: {  	v9 =	vld [tilespmem:s13+$0xC830];
	v4 =	vadd.f32 v12, v4  }
0x3a: {  	v10 =	vld [tilespmem:s13+$0xC840];
	v5 =	vadd.f32 v13, v5  }
0x3b: {  	v6 =	vadd.f32 v14, v6;
	v11 =	vld [tilespmem:s13+$0xC850]  }
0x3c: {  	v7 =	vadd.f32 v15, v7;
	v12 =	vld [tilespmem:s13+$0xC860];
	s13 =	sshra.s32 s14, $0x2;
	s14 =	sadd.s32 $0x200, s14  }
0x3d: {  	v13 =	vld [tilespmem:s13+$0xC870]  }
0x3e: {  	v14 =	vld [tilespmem:s13+$0xC800]  }
0x3f: {  	v15 =	vld [tilespmem:s13+$0xC810]  }
0x40: {  	v16 =	vld [tilespmem:s13+$0xC820]  }
0x41: {  	v17 =	vld [tilespmem:s13+$0xC830]  }
0x42: {  	v18 =	vld [tilespmem:s13+$0xC840]  }
0x43: {  	v2 =	vadd.f32 v8, v2;
	v8 =	vld [tilespmem:s13+$0xC850]  }
0x44: {  	v62 =	vld [tilespmem:s13+$0xC860];
	v0 =	vadd.f32 v9, v0;
	v61 =	vadd.f32 v10, v3  }
.Ltmp2:
0x45: {  	v1 =	vadd.f32 v11, v1;
	v63 =	vadd.f32 v12, v4;
	(pc) =	sbr.rel @p0 .LBB2_7-.Ltmp2, $4  }
0x46: {  	v5 =	vadd.f32 v13, v5;
	v6 =	vadd.f32 v14, v6  }
0x47: {  	v7 =	vadd.f32 v15, v7;
	v4 =	vadd.f32 v16, v2  }
0x48: {  	v3 =	vadd.f32 v17, v0;
	v2 =	vadd.f32 v18, v61  }
0x49: {  	v1 =	vadd.f32 v8, v1;
	v0 =	vadd.f32 v62, v63  }
0x4a: {  	s13 =	smul.u32 $0x320, s4  }
.Ltmp3:
0x4b: {  	_ = 	snop;
	(pc) =	sbr.rel .LBB2_1-.Ltmp3, $4  }
0x4c: {  	s13 =	sadd.s32 s13, s10  }
0x4d: {  	s13 =	sshll.u32 s13, $0x6  }
0x4e: {  	s4 =	sadd.s32 $0x1, s4;
	s13 =	sadd.s32 s13, s5  }
0x4f: {  	[tilespmem:s8], [sflag:$0x2] =	stream.strided.gather [hbm4b:s13+s6], $0xC800, s7, s6, $0x38;
	[tilespmem:$0x19100] =	vst v63  }
.LBB2_7:
0x50: {  	s4 =	sshll.u32 s0, $0x4;
	s5 =	simm.s32 $0x0  }
0x51: {  	s6 =	simm.s32 $0x19000;
	s30 =	simm.s32 $0x3;
	s3 =	sadd.s32 s3, s4  }
0x52: {  	[tilespmem:s6], [sflag:$0x3] =	stream.linear.gather [hbm4b:s3+s5], $0x80, $0x38;
	[tilespmem:$0x19100] =	vst v63  }
0x53: {  	_ =	swait.ge [sflag:s30], $0x80  }
0x54: {  	[sflag:s30] =	ssyncset.done $0x0  }
0x55: {  	[sflag:s30] =	ssyncadd.s32 $0xFFFFFF80  }
0x56: {  	v8 =	vld [tilespmem:$0x19000];
	_ =	sdelay $0x4  }
0x57: {  	(erf) = vrcp.f32 v8;
	_ =	sdelay $0x8  }
0x58: {  	v8 =	vpop (erf)  }
0x59: {  	v6 =	vmul.f32 v8, v6  }
0x5a: {  	v7 =	vmul.f32 v8, v7  }
0x5b: {  	v4 =	vmul.f32 v8, v4;
	[tilespmem:$0x19080] =	vst v6  }
0x5c: {  	v3 =	vmul.f32 v8, v3;
	[tilespmem:$0x19090] =	vst v7  }
0x5d: {  	v2 =	vmul.f32 v8, v2;
	[tilespmem:$0x190A0] =	vst v4  }
0x5e: {  	v1 =	vmul.f32 v8, v1;
	[tilespmem:$0x190B0] =	vst v3  }
0x5f: {  	v0 =	vmul.f32 v8, v0;
	[tilespmem:$0x190C0] =	vst v2  }
0x60: {  	v63 =	vmul.f32 v8, v5;
	[tilespmem:$0x190D0] =	vst v1  }
0x61: {  	[tilespmem:$0x190E0] =	vst v0  }
0x62: {  	s31 =	simm.s32 $0x19080;
	s2 =	sadd.s32 s2, s4;
	[tilespmem:$0x190F0] =	vst v63  }
0x63: {  	[hbm4b:s2+s5] =	stream.linear.scatter [tilespmem:s31], [sflag:$0x3], $0x80, $0x38;
	[tilespmem:$0x19100] =	vst v63  }
0x64: {  	_ =	swait.ge [sflag:s30], $0x80  }
0x65: {  	[sflag:s30] =	ssyncset.done $0x0  }
0x66: {  	[sflag:s30] =	ssyncadd.s32 $0xFFFFFF80  }
0x67: {  	_ =	sfence.sel $0x180000  }
0x68: {  	[bflag:$0x0] =	sbarrier.arrive $0xFFFF  }
0x69: {  	p0 =	sne.s32 s0, $0x0;
	_ =	strace $0x90000047  }
0x6a: {  	s0 =	sadd.s32 @!p0 $0x100000, s1;
	[bflag:$0x2] =	sbarrier.arrive $0xFFFF  }
0x6b: {  	[sflag:s0] =	ssyncadd.tile.s32 @!p0 $0x1;
	_ =	shalt  }
.Lfunc_end2:
_tile_overlayer_lowered:
.L_overlay_start_2:
0x6c: {  	(tag) =	ssettag $0x2  }
0x6d: {  	s0 =	rddreg [dreg:$0x0];
	s2 =	stileid.u32  }
0x6e: {  	s1 =	rddreg [dreg:$0x1];
	p0 =	sne.s32 s2, $0x0  }
0x6f: {  	s3 =	rddreg [dreg:$0x2];
	[bflag:$0x3] =	sbarrier.arrive $0xFFFF;
	s2 =	simm.s32 @!p0 $0x1C03  }
0x70: {  	[timem:s3], [sflag:s2] =	dma.local @!p0 [hbm:s0], s1  }
0x71: {  	s0 =	simm.s32 @!p0 $0x3  }
0x72: {  	_ =	swait.ge @!p0 [sflag:s0], s1  }
0x73: {  	s1 =	ssub.s32 @!p0 $0x0, s1;
	[sflag:s0] =	ssyncset.done @!p0 $0x0  }
0x74: {  	[sflag:s0] =	ssyncadd.s32 @!p0 s1  }
0x75: {  	[bflag:$0x3] =	sbarrier.arrive $0xFFFF  }
0x76: {  	_ =	shalt  }

</sc_bundles>
